<compile_context>
chip_gen: v7x
topology: tpu7x:2x2x1
jax: 0.10.2.dev20260603
libtpu: 0.0.44.dev20260713+nightly
codegen_flags: <defaults>
</compile_context>

<pallas_src>
import jax
import jax.numpy as jnp
from jax import lax
from jax.experimental import pallas as pl
from jax.experimental.pallas import tpu as pltpu
from jax.experimental.pallas import tpu_sc as plsc

_N_WEIGHTS = 4
_DIM = 16
_J = 3
_B = 4
_N = 4096

_NUM_CORES = 2
_NUM_SUBCORES = 16
_CLOUDS_PER_CORE = _B // _NUM_CORES
_SUBCORES_PER_CLOUD = _NUM_SUBCORES // _CLOUDS_PER_CORE
_ROWS_PER_SUBCORE = _N // _SUBCORES_PER_CLOUD
_OUT_COLS = _N_WEIGHTS * (_J + 1) * _DIM


def _sc_kernel(pc_hbm, al_hbm, out_hbm, rows_v, part_v, all_v, al_v, row_v,
               shared, sem0, sem1):
    c = lax.axis_index("c")
    s = lax.axis_index("s")
    zero = jnp.zeros((_DIM,), jnp.float32)
    half = _ROWS_PER_SUBCORE // 2

    p = c * _CLOUDS_PER_CORE + s // _SUBCORES_PER_CLOUD
    base = (s % _SUBCORES_PER_CLOUD) * _ROWS_PER_SUBCORE
    cp0 = pltpu.async_copy(pc_hbm.at[p, pl.ds(base, half), :],
                           rows_v.at[pl.ds(0, half), :], sem0)
    cp1 = pltpu.async_copy(pc_hbm.at[p, pl.ds(base + half, half), :],
                           rows_v.at[pl.ds(half, half), :], sem1)

    @pl.when(s < _CLOUDS_PER_CORE)
    def _():
        pltpu.sync_copy(al_hbm, al_v)

    def body(i, acc):
        a0, a1, a2, a3, a4, a5, a6, a7 = acc
        a0 = a0 + rows_v[8 * i]
        a1 = a1 + rows_v[8 * i + 1]
        a2 = a2 + rows_v[8 * i + 2]
        a3 = a3 + rows_v[8 * i + 3]
        a4 = a4 + rows_v[8 * i + 4]
        a5 = a5 + rows_v[8 * i + 5]
        a6 = a6 + rows_v[8 * i + 6]
        a7 = a7 + rows_v[8 * i + 7]
        return (a0, a1, a2, a3, a4, a5, a6, a7)

    cp0.wait()
    accs = lax.fori_loop(0, half // 8, body, (zero,) * 8)
    cp1.wait()
    accs = lax.fori_loop(half // 8, _ROWS_PER_SUBCORE // 8, body, accs)
    part_v[:] = (((accs[0] + accs[1]) + (accs[2] + accs[3]))
                 + ((accs[4] + accs[5]) + (accs[6] + accs[7])))

    pltpu.sync_copy(part_v, shared.at[pl.ds(s * _DIM, _DIM)])
    plsc.subcore_barrier()

    @pl.when(s < _CLOUDS_PER_CORE)
    def _():
        pltpu.sync_copy(shared, all_v)
        tot = zero
        for k in range(_SUBCORES_PER_CLOUD):
            tot = tot + all_v[pl.ds((s * _SUBCORES_PER_CLOUD + k) * _DIM,
                                    _DIM)]
        for w in range(_N_WEIGHTS):
            prod = al_v[w] * tot
            for j in range(_J + 1):
                row_v[pl.ds((w * (_J + 1) + j) * _DIM, _DIM)] = prod
        pltpu.sync_copy(row_v, out_hbm.at[c * _CLOUDS_PER_CORE + s])


@jax.jit
def _hiponet_pooled(point_clouds, alphas):
    mesh = plsc.VectorSubcoreMesh(core_axis_name="c", subcore_axis_name="s",
                                  num_cores=_NUM_CORES,
                                  num_subcores=_NUM_SUBCORES)
    return pl.kernel(
        _sc_kernel,
        out_type=jax.ShapeDtypeStruct((_B, _OUT_COLS), jnp.float32),
        mesh=mesh,
        scratch_types=[
            pltpu.VMEM((_ROWS_PER_SUBCORE, _DIM), jnp.float32),
            pltpu.VMEM((_DIM,), jnp.float32),
            pltpu.VMEM((_NUM_SUBCORES * _DIM,), jnp.float32),
            pltpu.VMEM((_N_WEIGHTS, _DIM), jnp.float32),
            pltpu.VMEM((_OUT_COLS,), jnp.float32),
            pltpu.VMEM_SHARED((_NUM_SUBCORES * _DIM,), jnp.float32),
            pltpu.SemaphoreType.DMA,
            pltpu.SemaphoreType.DMA,
        ],
        name="hiponet_pooled_sc",
    )(point_clouds, alphas)


def kernel(point_clouds, alphas, sigma):
    del sigma
    return _hiponet_pooled(point_clouds, alphas)

# --- scband reference (transcript-rebuilt; emitter-appended) ---
"""Pipeline reference for scband-hi-po-net-41480794145241 (READ-ONLY COPY).

The authoritative reference and input builder live on the scoring server;
editing this copy changes nothing except your own understanding.
"""

import jax, jax.numpy as jnp
import numpy as np

N_WEIGHTS = 4
DIM = 16
THRESHOLD = 1e-4
J = 3


def _graph_feats(X_bar, sigma):
    # X_bar: [N, d] reweighted point cloud (one graph, one weight head)
    G = X_bar @ X_bar.T
    diag = jnp.diag(G)
    D = diag[None, :] + diag[:, None] - 2.0 * G
    W = jnp.exp(-D / sigma)
    W = jnp.where(W < THRESHOLD, jnp.zeros_like(W), W)
    dcol = W.sum(axis=0)
    Wn = W / dcol[None, :]  # matches torch W / d (broadcast over rows)
    N = X_bar.shape[0]
    # edges carry w/2 and every node gets a 0.5 self loop -> lazy diffusion operator
    P = 0.5 * Wn + 0.5 * jnp.eye(N, dtype=X_bar.dtype)
    feats = [X_bar.sum(axis=0)]
    Xj = X_bar
    for _ in range(J):
        Xj = P @ Xj
        feats.append(Xj.sum(axis=0))
    return jnp.concatenate(feats, axis=0)  # [(J+1)*d]


def setup_inputs(seed: int = 0) -> dict:
    key = jax.random.key(seed)
    k1, k2 = jax.random.split(key)
    point_clouds = jax.random.normal(k1, (4, 4096, DIM), dtype=jnp.float32)
    alphas = jax.random.uniform(k2, (N_WEIGHTS, DIM), dtype=jnp.float32)
    sigma = jnp.ones((), dtype=jnp.float32)
    return {"point_clouds": point_clouds, "alphas": alphas, "sigma": sigma}


def reference(point_clouds, alphas, sigma):
    B = point_clouds.shape[0]
    outs = []
    for p in range(B):
        per_w = []
        for w in range(N_WEIGHTS):
            X_bar = point_clouds[p] * alphas[w]
            per_w.append(_graph_feats(X_bar, sigma))
        outs.append(jnp.concatenate(per_w, axis=0))
    return jnp.stack(outs, axis=0)  # [B_pc, n_weights*(J+1)*d]

if __name__ == "__main__":
    import jax
    _d = setup_inputs()
    print(jax.jit(kernel)(*tuple(_d.values())))

</pallas_src>

<mosaic_0001>
#map = affine_map<(d0, d1) -> (0, 0, 0)>
#map1 = affine_map<(d0, d1) -> (0, 0)>
module attributes {stable_mosaic.version = 14 : i64} {
  func.func @hiponet_pooled_sc(%arg0: i32, %arg1: i32, %arg2: memref<4x4096x16xf32, #tpu.memory_space<hbm>>, %arg3: memref<4x16xf32, #tpu.memory_space<hbm>>, %arg4: memref<4x256xf32, #tpu.memory_space<hbm>>, %arg5: memref<512x16xf32, #tpu.memory_space<vmem>>, %arg6: memref<16xf32, #tpu.memory_space<vmem>>, %arg7: memref<256xf32, #tpu.memory_space<vmem>>, %arg8: memref<4x16xf32, #tpu.memory_space<vmem>>, %arg9: memref<256xf32, #tpu.memory_space<vmem>>, %arg10: memref<256xf32, #tpu.memory_space<vmem_shared>>, %arg11: memref<!tpu.dma_semaphore, #tpu.memory_space<semaphore_mem>>, %arg12: memref<!tpu.dma_semaphore, #tpu.memory_space<semaphore_mem>>) attributes {dimension_semantics = [#tpu.dimension_semantics<core_parallel>, #tpu.dimension_semantics<subcore_parallel>], iteration_bounds = array<i64: 2, 16>, scalar_prefetch = 0 : i64, scratch_operands = 8 : i64, tpu.core_type = #tpu.core_type<sc_vector_subcore>, window_params = [{transform_indices = #map}, {transform_indices = #map1}, {transform_indices = #map1}]} {
    %broadcast_in_dim3A = arith.constant 0.000000e+00 : f32
    %broadcast_in_dim3A_0 = vector.broadcast %broadcast_in_dim3A : f32 to vector<16xf32>
    %mul3A = arith.constant 2 : i32
    %mul3A_1 = arith.muli %arg0, %mul3A : i32
    %jit3A = arith.constant 8 : i32
    %div3A = arith.divsi %arg1, %jit3A : i32
    %sign3A = arith.constant 0 : i32
    %sign3A_2 = arith.cmpi sgt, %arg1, %sign3A : i32
    %sign3A_3 = arith.extui %sign3A_2 : i1 to i32
    %sign3A_4 = arith.constant 0 : i32
    %sign3A_5 = arith.cmpi slt, %arg1, %sign3A_4 : i32
    %sign3A_6 = arith.extui %sign3A_5 : i1 to i32
    %sign3A_7 = arith.subi %sign3A_3, %sign3A_6 : i32
    %sign3A_8 = arith.constant 0 : i32
    %sign3A_9 = arith.cmpi sgt, %jit3A, %sign3A_8 : i32
    %sign3A_10 = arith.extui %sign3A_9 : i1 to i32
    %sign3A_11 = arith.constant 0 : i32
    %sign3A_12 = arith.cmpi slt, %jit3A, %sign3A_11 : i32
    %sign3A_13 = arith.extui %sign3A_12 : i1 to i32
    %sign3A_14 = arith.subi %sign3A_10, %sign3A_13 : i32
    %ne3A = arith.cmpi ne, %sign3A_7, %sign3A_14 : i32
    %rem3A = arith.remsi %arg1, %jit3A : i32
    %ne3A_15 = arith.constant 0 : i32
    %ne3A_16 = arith.cmpi ne, %rem3A, %ne3A_15 : i32
    %and3A = arith.andi %ne3A, %ne3A_16 : i1
    %sub3A = arith.constant 1 : i32
    %sub3A_17 = arith.subi %div3A, %sub3A : i32
    %select_n3A = arith.select %and3A, %sub3A_17, %div3A : i32
    %add3A = arith.addi %mul3A_1, %select_n3A : i32
    %jit3A_18 = arith.constant 8 : i32
    %eq3A = arith.constant 0 : i32
    %eq3A_19 = arith.cmpi eq, %jit3A_18, %eq3A : i32
    %jit3A_20 = arith.constant 1 : i32
    %select_n3A_21 = arith.select %eq3A_19, %jit3A_20, %jit3A_18 : i32
    %rem3A_22 = arith.remsi %arg1, %select_n3A_21 : i32
    %ne3A_23 = arith.constant 0 : i32
    %ne3A_24 = arith.cmpi ne, %rem3A_22, %ne3A_23 : i32
    %lt3A = arith.constant 0 : i32
    %lt3A_25 = arith.cmpi slt, %rem3A_22, %lt3A : i32
    %lt3A_26 = arith.constant 0 : i32
    %lt3A_27 = arith.cmpi slt, %select_n3A_21, %lt3A_26 : i32
    %ne3A_28 = arith.xori %lt3A_25, %lt3A_27 : i1
    %and3A_29 = arith.andi %ne3A_28, %ne3A_24 : i1
    %add3A_30 = arith.addi %rem3A_22, %select_n3A_21 : i32
    %select_n3A_31 = arith.select %and3A_29, %add3A_30, %rem3A_22 : i32
    %mul3A_32 = arith.constant 512 : i32
    %mul3A_33 = arith.muli %select_n3A_31, %mul3A_32 : i32
    %dma_start3A = arith.constant 0 : i32
    %dma_start3A_34 = arith.constant 0 : i32
    %dma_start3A_35 = tpu.memref_slice %arg5[%dma_start3A, %dma_start3A_34] : memref<512x16xf32, #tpu.memory_space<vmem>> -> memref<256x16xf32, #tpu.memory_space<vmem>>
    %dma_start3A_36 = arith.constant 0 : i32
    %dma_start3A_37 = tpu.memref_slice %arg2[%add3A, %mul3A_33, %dma_start3A_36] : memref<4x4096x16xf32, #tpu.memory_space<hbm>> -> memref<1x256x16xf32, #tpu.memory_space<hbm>>
    %dma_start3A_38 = tpu.memref_squeeze %dma_start3A_37 : memref<1x256x16xf32, #tpu.memory_space<hbm>> -> memref<256x16xf32, #tpu.memory_space<hbm>>
    %dma_start3A_39 = arith.constant 0 : i32
    %dma_start3A_40 = arith.constant 0 : i32
    %dma_start3A_41 = tpu.memref_slice %arg5[%dma_start3A_39, %dma_start3A_40] : memref<512x16xf32, #tpu.memory_space<vmem>> -> memref<256x16xf32, #tpu.memory_space<vmem>>
    %dma_start3A_42 = arith.constant 0 : i32
    %dma_start3A_43 = tpu.memref_slice %arg2[%add3A, %mul3A_33, %dma_start3A_42] : memref<4x4096x16xf32, #tpu.memory_space<hbm>> -> memref<1x256x16xf32, #tpu.memory_space<hbm>>
    %dma_start3A_44 = tpu.memref_squeeze %dma_start3A_43 : memref<1x256x16xf32, #tpu.memory_space<hbm>> -> memref<256x16xf32, #tpu.memory_space<hbm>>
    tpu.enqueue_dma source(%dma_start3A_44 : memref<256x16xf32, #tpu.memory_space<hbm>>) target(%dma_start3A_41 : memref<256x16xf32, #tpu.memory_space<vmem>>) target_semaphore(%arg11 : memref<!tpu.dma_semaphore, #tpu.memory_space<semaphore_mem>>)
    %add3A_45 = arith.constant 256 : i32
    %add3A_46 = arith.addi %mul3A_33, %add3A_45 : i32
    %dma_start3A_47 = arith.constant 256 : i32
    %dma_start3A_48 = arith.constant 0 : i32
    %dma_start3A_49 = tpu.memref_slice %arg5[%dma_start3A_47, %dma_start3A_48] : memref<512x16xf32, #tpu.memory_space<vmem>> -> memref<256x16xf32, #tpu.memory_space<vmem>>
    %dma_start3A_50 = arith.constant 0 : i32
    %dma_start3A_51 = tpu.memref_slice %arg2[%add3A, %add3A_46, %dma_start3A_50] : memref<4x4096x16xf32, #tpu.memory_space<hbm>> -> memref<1x256x16xf32, #tpu.memory_space<hbm>>
    %dma_start3A_52 = tpu.memref_squeeze %dma_start3A_51 : memref<1x256x16xf32, #tpu.memory_space<hbm>> -> memref<256x16xf32, #tpu.memory_space<hbm>>
    %dma_start3A_53 = arith.constant 256 : i32
    %dma_start3A_54 = arith.constant 0 : i32
    %dma_start3A_55 = tpu.memref_slice %arg5[%dma_start3A_53, %dma_start3A_54] : memref<512x16xf32, #tpu.memory_space<vmem>> -> memref<256x16xf32, #tpu.memory_space<vmem>>
    %dma_start3A_56 = arith.constant 0 : i32
    %dma_start3A_57 = tpu.memref_slice %arg2[%add3A, %add3A_46, %dma_start3A_56] : memref<4x4096x16xf32, #tpu.memory_space<hbm>> -> memref<1x256x16xf32, #tpu.memory_space<hbm>>
    %dma_start3A_58 = tpu.memref_squeeze %dma_start3A_57 : memref<1x256x16xf32, #tpu.memory_space<hbm>> -> memref<256x16xf32, #tpu.memory_space<hbm>>
    tpu.enqueue_dma source(%dma_start3A_58 : memref<256x16xf32, #tpu.memory_space<hbm>>) target(%dma_start3A_55 : memref<256x16xf32, #tpu.memory_space<vmem>>) target_semaphore(%arg12 : memref<!tpu.dma_semaphore, #tpu.memory_space<semaphore_mem>>)
    %lt3A_59 = arith.constant 2 : i32
    %lt3A_60 = arith.cmpi slt, %arg1, %lt3A_59 : i32
    %convert_element_type3A = arith.extui %lt3A_60 : i1 to i32
    %cond3A = arith.constant 0 : i32
    %cond3A_61 = arith.cmpi ne, %convert_element_type3A, %cond3A : i32
    scf.if %cond3A_61 {
      "tpu.region"() ({
        %run_scoped3A = tpu.sem_alloc : memref<!tpu.dma_semaphore, #tpu.memory_space<semaphore_mem>>
        tpu.enqueue_dma source(%arg3 : memref<4x16xf32, #tpu.memory_space<hbm>>) target(%arg8 : memref<4x16xf32, #tpu.memory_space<vmem>>) target_semaphore(%run_scoped3A : memref<!tpu.dma_semaphore, #tpu.memory_space<semaphore_mem>>)
        tpu.wait_dma2 semaphore(%run_scoped3A : memref<!tpu.dma_semaphore, #tpu.memory_space<semaphore_mem>>) src(%arg3 : memref<4x16xf32, #tpu.memory_space<hbm>>) dst(%arg8 : memref<4x16xf32, #tpu.memory_space<vmem>>)
        tpu.yield
      }) : () -> ()
    } else {
    }
    %dma_wait3A = arith.constant 0 : i32
    %dma_wait3A_62 = arith.constant 0 : i32
    %dma_wait3A_63 = tpu.memref_slice %arg5[%dma_wait3A, %dma_wait3A_62] : memref<512x16xf32, #tpu.memory_space<vmem>> -> memref<256x16xf32, #tpu.memory_space<vmem>>
    %dma_wait3A_64 = arith.constant 0 : i32
    %dma_wait3A_65 = tpu.memref_slice %arg2[%add3A, %mul3A_33, %dma_wait3A_64] : memref<4x4096x16xf32, #tpu.memory_space<hbm>> -> memref<1x256x16xf32, #tpu.memory_space<hbm>>
    %dma_wait3A_66 = tpu.memref_squeeze %dma_wait3A_65 : memref<1x256x16xf32, #tpu.memory_space<hbm>> -> memref<256x16xf32, #tpu.memory_space<hbm>>
    %dma_wait3A_67 = arith.constant 0 : i32
    %dma_wait3A_68 = arith.constant 0 : i32
    %dma_wait3A_69 = tpu.memref_slice %arg5[%dma_wait3A_67, %dma_wait3A_68] : memref<512x16xf32, #tpu.memory_space<vmem>> -> memref<256x16xf32, #tpu.memory_space<vmem>>
    %dma_wait3A_70 = arith.constant 0 : i32
    %dma_wait3A_71 = tpu.memref_slice %arg2[%add3A, %mul3A_33, %dma_wait3A_70] : memref<4x4096x16xf32, #tpu.memory_space<hbm>> -> memref<1x256x16xf32, #tpu.memory_space<hbm>>
    %dma_wait3A_72 = tpu.memref_squeeze %dma_wait3A_71 : memref<1x256x16xf32, #tpu.memory_space<hbm>> -> memref<256x16xf32, #tpu.memory_space<hbm>>
    tpu.wait_dma2 semaphore(%arg11 : memref<!tpu.dma_semaphore, #tpu.memory_space<semaphore_mem>>) src(%dma_wait3A_72 : memref<256x16xf32, #tpu.memory_space<hbm>>) dst(%dma_wait3A_69 : memref<256x16xf32, #tpu.memory_space<vmem>>)
    %scan3A = arith.constant 0 : i32
    %scan3A_73 = arith.constant 32 : i32
    %scan3A_74 = arith.addi %scan3A, %scan3A_73 : i32
    %scan3A_75 = arith.constant 1 : i32
    %scan3A_76:8 = scf.for %scan3A_113 = %scan3A to %scan3A_74 step %scan3A_75 iter_args(%scan3A_114 = %broadcast_in_dim3A_0, %scan3A_115 = %broadcast_in_dim3A_0, %scan3A_116 = %broadcast_in_dim3A_0, %scan3A_117 = %broadcast_in_dim3A_0, %scan3A_118 = %broadcast_in_dim3A_0, %scan3A_119 = %broadcast_in_dim3A_0, %scan3A_120 = %broadcast_in_dim3A_0, %scan3A_121 = %broadcast_in_dim3A_0) -> (vector<16xf32>, vector<16xf32>, vector<16xf32>, vector<16xf32>, vector<16xf32>, vector<16xf32>, vector<16xf32>, vector<16xf32>)  : i32 {
      %mul3A_122 = arith.constant 8 : i32
      %mul3A_123 = arith.muli %mul3A_122, %scan3A_113 : i32
      %get3A = arith.index_cast %mul3A_123 : i32 to index
      %get3A_124 = arith.constant 0 : index
      %get3A_125 = tpu.vector_load %arg5[%get3A, %get3A_124] {strides = array<i32>} : memref<512x16xf32, #tpu.memory_space<vmem>>, vector<1x16xf32>,
      %get3A_126 = vector.shape_cast %get3A_125 : vector<1x16xf32> to vector<16xf32>
      %add3A_127 = arith.addf %scan3A_114, %get3A_126 : vector<16xf32>
      %mul3A_128 = arith.constant 8 : i32
      %mul3A_129 = arith.muli %mul3A_128, %scan3A_113 : i32
      %add3A_130 = arith.constant 1 : i32
      %add3A_131 = arith.addi %mul3A_129, %add3A_130 : i32
      %get3A_132 = arith.index_cast %add3A_131 : i32 to index
      %get3A_133 = arith.constant 0 : index
      %get3A_134 = tpu.vector_load %arg5[%get3A_132, %get3A_133] {strides = array<i32>} : memref<512x16xf32, #tpu.memory_space<vmem>>, vector<1x16xf32>,
      %get3A_135 = vector.shape_cast %get3A_134 : vector<1x16xf32> to vector<16xf32>
      %add3A_136 = arith.addf %scan3A_115, %get3A_135 : vector<16xf32>
      %mul3A_137 = arith.constant 8 : i32
      %mul3A_138 = arith.muli %mul3A_137, %scan3A_113 : i32
      %add3A_139 = arith.constant 2 : i32
      %add3A_140 = arith.addi %mul3A_138, %add3A_139 : i32
      %get3A_141 = arith.index_cast %add3A_140 : i32 to index
      %get3A_142 = arith.constant 0 : index
      %get3A_143 = tpu.vector_load %arg5[%get3A_141, %get3A_142] {strides = array<i32>} : memref<512x16xf32, #tpu.memory_space<vmem>>, vector<1x16xf32>,
      %get3A_144 = vector.shape_cast %get3A_143 : vector<1x16xf32> to vector<16xf32>
      %add3A_145 = arith.addf %scan3A_116, %get3A_144 : vector<16xf32>
      %mul3A_146 = arith.constant 8 : i32
      %mul3A_147 = arith.muli %mul3A_146, %scan3A_113 : i32
      %add3A_148 = arith.constant 3 : i32
      %add3A_149 = arith.addi %mul3A_147, %add3A_148 : i32
      %get3A_150 = arith.index_cast %add3A_149 : i32 to index
      %get3A_151 = arith.constant 0 : index
      %get3A_152 = tpu.vector_load %arg5[%get3A_150, %get3A_151] {strides = array<i32>} : memref<512x16xf32, #tpu.memory_space<vmem>>, vector<1x16xf32>,
      %get3A_153 = vector.shape_cast %get3A_152 : vector<1x16xf32> to vector<16xf32>
      %add3A_154 = arith.addf %scan3A_117, %get3A_153 : vector<16xf32>
      %mul3A_155 = arith.constant 8 : i32
      %mul3A_156 = arith.muli %mul3A_155, %scan3A_113 : i32
      %add3A_157 = arith.constant 4 : i32
      %add3A_158 = arith.addi %mul3A_156, %add3A_157 : i32
      %get3A_159 = arith.index_cast %add3A_158 : i32 to index
      %get3A_160 = arith.constant 0 : index
      %get3A_161 = tpu.vector_load %arg5[%get3A_159, %get3A_160] {strides = array<i32>} : memref<512x16xf32, #tpu.memory_space<vmem>>, vector<1x16xf32>,
      %get3A_162 = vector.shape_cast %get3A_161 : vector<1x16xf32> to vector<16xf32>
      %add3A_163 = arith.addf %scan3A_118, %get3A_162 : vector<16xf32>
      %mul3A_164 = arith.constant 8 : i32
      %mul3A_165 = arith.muli %mul3A_164, %scan3A_113 : i32
      %add3A_166 = arith.constant 5 : i32
      %add3A_167 = arith.addi %mul3A_165, %add3A_166 : i32
      %get3A_168 = arith.index_cast %add3A_167 : i32 to index
      %get3A_169 = arith.constant 0 : index
      %get3A_170 = tpu.vector_load %arg5[%get3A_168, %get3A_169] {strides = array<i32>} : memref<512x16xf32, #tpu.memory_space<vmem>>, vector<1x16xf32>,
      %get3A_171 = vector.shape_cast %get3A_170 : vector<1x16xf32> to vector<16xf32>
      %add3A_172 = arith.addf %scan3A_119, %get3A_171 : vector<16xf32>
      %mul3A_173 = arith.constant 8 : i32
      %mul3A_174 = arith.muli %mul3A_173, %scan3A_113 : i32
      %add3A_175 = arith.constant 6 : i32
      %add3A_176 = arith.addi %mul3A_174, %add3A_175 : i32
      %get3A_177 = arith.index_cast %add3A_176 : i32 to index
      %get3A_178 = arith.constant 0 : index
      %get3A_179 = tpu.vector_load %arg5[%get3A_177, %get3A_178] {strides = array<i32>} : memref<512x16xf32, #tpu.memory_space<vmem>>, vector<1x16xf32>,
      %get3A_180 = vector.shape_cast %get3A_179 : vector<1x16xf32> to vector<16xf32>
      %add3A_181 = arith.addf %scan3A_120, %get3A_180 : vector<16xf32>
      %mul3A_182 = arith.constant 8 : i32
      %mul3A_183 = arith.muli %mul3A_182, %scan3A_113 : i32
      %add3A_184 = arith.constant 7 : i32
      %add3A_185 = arith.addi %mul3A_183, %add3A_184 : i32
      %get3A_186 = arith.index_cast %add3A_185 : i32 to index
      %get3A_187 = arith.constant 0 : index
      %get3A_188 = tpu.vector_load %arg5[%get3A_186, %get3A_187] {strides = array<i32>} : memref<512x16xf32, #tpu.memory_space<vmem>>, vector<1x16xf32>,
      %get3A_189 = vector.shape_cast %get3A_188 : vector<1x16xf32> to vector<16xf32>
      %add3A_190 = arith.addf %scan3A_121, %get3A_189 : vector<16xf32>
      scf.yield %add3A_127, %add3A_136, %add3A_145, %add3A_154, %add3A_163, %add3A_172, %add3A_181, %add3A_190 : vector<16xf32>, vector<16xf32>, vector<16xf32>, vector<16xf32>, vector<16xf32>, vector<16xf32>, vector<16xf32>, vector<16xf32>
    }
    %scan3A_77 = arith.constant 32 : i32
    %dma_wait3A_78 = arith.constant 256 : i32
    %dma_wait3A_79 = arith.constant 0 : i32
    %dma_wait3A_80 = tpu.memref_slice %arg5[%dma_wait3A_78, %dma_wait3A_79] : memref<512x16xf32, #tpu.memory_space<vmem>> -> memref<256x16xf32, #tpu.memory_space<vmem>>
    %dma_wait3A_81 = arith.constant 0 : i32
    %dma_wait3A_82 = tpu.memref_slice %arg2[%add3A, %add3A_46, %dma_wait3A_81] : memref<4x4096x16xf32, #tpu.memory_space<hbm>> -> memref<1x256x16xf32, #tpu.memory_space<hbm>>
    %dma_wait3A_83 = tpu.memref_squeeze %dma_wait3A_82 : memref<1x256x16xf32, #tpu.memory_space<hbm>> -> memref<256x16xf32, #tpu.memory_space<hbm>>
    %dma_wait3A_84 = arith.constant 256 : i32
    %dma_wait3A_85 = arith.constant 0 : i32
    %dma_wait3A_86 = tpu.memref_slice %arg5[%dma_wait3A_84, %dma_wait3A_85] : memref<512x16xf32, #tpu.memory_space<vmem>> -> memref<256x16xf32, #tpu.memory_space<vmem>>
    %dma_wait3A_87 = arith.constant 0 : i32
    %dma_wait3A_88 = tpu.memref_slice %arg2[%add3A, %add3A_46, %dma_wait3A_87] : memref<4x4096x16xf32, #tpu.memory_space<hbm>> -> memref<1x256x16xf32, #tpu.memory_space<hbm>>
    %dma_wait3A_89 = tpu.memref_squeeze %dma_wait3A_88 : memref<1x256x16xf32, #tpu.memory_space<hbm>> -> memref<256x16xf32, #tpu.memory_space<hbm>>
    tpu.wait_dma2 semaphore(%arg12 : memref<!tpu.dma_semaphore, #tpu.memory_space<semaphore_mem>>) src(%dma_wait3A_89 : memref<256x16xf32, #tpu.memory_space<hbm>>) dst(%dma_wait3A_86 : memref<256x16xf32, #tpu.memory_space<vmem>>)
    %scan3A_90 = arith.constant 32 : i32
    %scan3A_91 = arith.constant 32 : i32
    %scan3A_92 = arith.addi %scan3A_90, %scan3A_91 : i32
    %scan3A_93 = arith.constant 1 : i32
    %scan3A_94:8 = scf.for %scan3A_113 = %scan3A_90 to %scan3A_92 step %scan3A_93 iter_args(%scan3A_114 = %scan3A_76#0, %scan3A_115 = %scan3A_76#1, %scan3A_116 = %scan3A_76#2, %scan3A_117 = %scan3A_76#3, %scan3A_118 = %scan3A_76#4, %scan3A_119 = %scan3A_76#5, %scan3A_120 = %scan3A_76#6, %scan3A_121 = %scan3A_76#7) -> (vector<16xf32>, vector<16xf32>, vector<16xf32>, vector<16xf32>, vector<16xf32>, vector<16xf32>, vector<16xf32>, vector<16xf32>)  : i32 {
      %mul3A_122 = arith.constant 8 : i32
      %mul3A_123 = arith.muli %mul3A_122, %scan3A_113 : i32
      %get3A = arith.index_cast %mul3A_123 : i32 to index
      %get3A_124 = arith.constant 0 : index
      %get3A_125 = tpu.vector_load %arg5[%get3A, %get3A_124] {strides = array<i32>} : memref<512x16xf32, #tpu.memory_space<vmem>>, vector<1x16xf32>,
      %get3A_126 = vector.shape_cast %get3A_125 : vector<1x16xf32> to vector<16xf32>
      %add3A_127 = arith.addf %scan3A_114, %get3A_126 : vector<16xf32>
      %mul3A_128 = arith.constant 8 : i32
      %mul3A_129 = arith.muli %mul3A_128, %scan3A_113 : i32
      %add3A_130 = arith.constant 1 : i32
      %add3A_131 = arith.addi %mul3A_129, %add3A_130 : i32
      %get3A_132 = arith.index_cast %add3A_131 : i32 to index
      %get3A_133 = arith.constant 0 : index
      %get3A_134 = tpu.vector_load %arg5[%get3A_132, %get3A_133] {strides = array<i32>} : memref<512x16xf32, #tpu.memory_space<vmem>>, vector<1x16xf32>,
      %get3A_135 = vector.shape_cast %get3A_134 : vector<1x16xf32> to vector<16xf32>
      %add3A_136 = arith.addf %scan3A_115, %get3A_135 : vector<16xf32>
      %mul3A_137 = arith.constant 8 : i32
      %mul3A_138 = arith.muli %mul3A_137, %scan3A_113 : i32
      %add3A_139 = arith.constant 2 : i32
      %add3A_140 = arith.addi %mul3A_138, %add3A_139 : i32
      %get3A_141 = arith.index_cast %add3A_140 : i32 to index
      %get3A_142 = arith.constant 0 : index
      %get3A_143 = tpu.vector_load %arg5[%get3A_141, %get3A_142] {strides = array<i32>} : memref<512x16xf32, #tpu.memory_space<vmem>>, vector<1x16xf32>,
      %get3A_144 = vector.shape_cast %get3A_143 : vector<1x16xf32> to vector<16xf32>
      %add3A_145 = arith.addf %scan3A_116, %get3A_144 : vector<16xf32>
      %mul3A_146 = arith.constant 8 : i32
      %mul3A_147 = arith.muli %mul3A_146, %scan3A_113 : i32
      %add3A_148 = arith.constant 3 : i32
      %add3A_149 = arith.addi %mul3A_147, %add3A_148 : i32
      %get3A_150 = arith.index_cast %add3A_149 : i32 to index
      %get3A_151 = arith.constant 0 : index
      %get3A_152 = tpu.vector_load %arg5[%get3A_150, %get3A_151] {strides = array<i32>} : memref<512x16xf32, #tpu.memory_space<vmem>>, vector<1x16xf32>,
      %get3A_153 = vector.shape_cast %get3A_152 : vector<1x16xf32> to vector<16xf32>
      %add3A_154 = arith.addf %scan3A_117, %get3A_153 : vector<16xf32>
      %mul3A_155 = arith.constant 8 : i32
      %mul3A_156 = arith.muli %mul3A_155, %scan3A_113 : i32
      %add3A_157 = arith.constant 4 : i32
      %add3A_158 = arith.addi %mul3A_156, %add3A_157 : i32
      %get3A_159 = arith.index_cast %add3A_158 : i32 to index
      %get3A_160 = arith.constant 0 : index
      %get3A_161 = tpu.vector_load %arg5[%get3A_159, %get3A_160] {strides = array<i32>} : memref<512x16xf32, #tpu.memory_space<vmem>>, vector<1x16xf32>,
      %get3A_162 = vector.shape_cast %get3A_161 : vector<1x16xf32> to vector<16xf32>
      %add3A_163 = arith.addf %scan3A_118, %get3A_162 : vector<16xf32>
      %mul3A_164 = arith.constant 8 : i32
      %mul3A_165 = arith.muli %mul3A_164, %scan3A_113 : i32
      %add3A_166 = arith.constant 5 : i32
      %add3A_167 = arith.addi %mul3A_165, %add3A_166 : i32
      %get3A_168 = arith.index_cast %add3A_167 : i32 to index
      %get3A_169 = arith.constant 0 : index
      %get3A_170 = tpu.vector_load %arg5[%get3A_168, %get3A_169] {strides = array<i32>} : memref<512x16xf32, #tpu.memory_space<vmem>>, vector<1x16xf32>,
      %get3A_171 = vector.shape_cast %get3A_170 : vector<1x16xf32> to vector<16xf32>
      %add3A_172 = arith.addf %scan3A_119, %get3A_171 : vector<16xf32>
      %mul3A_173 = arith.constant 8 : i32
      %mul3A_174 = arith.muli %mul3A_173, %scan3A_113 : i32
      %add3A_175 = arith.constant 6 : i32
      %add3A_176 = arith.addi %mul3A_174, %add3A_175 : i32
      %get3A_177 = arith.index_cast %add3A_176 : i32 to index
      %get3A_178 = arith.constant 0 : index
      %get3A_179 = tpu.vector_load %arg5[%get3A_177, %get3A_178] {strides = array<i32>} : memref<512x16xf32, #tpu.memory_space<vmem>>, vector<1x16xf32>,
      %get3A_180 = vector.shape_cast %get3A_179 : vector<1x16xf32> to vector<16xf32>
      %add3A_181 = arith.addf %scan3A_120, %get3A_180 : vector<16xf32>
      %mul3A_182 = arith.constant 8 : i32
      %mul3A_183 = arith.muli %mul3A_182, %scan3A_113 : i32
      %add3A_184 = arith.constant 7 : i32
      %add3A_185 = arith.addi %mul3A_183, %add3A_184 : i32
      %get3A_186 = arith.index_cast %add3A_185 : i32 to index
      %get3A_187 = arith.constant 0 : index
      %get3A_188 = tpu.vector_load %arg5[%get3A_186, %get3A_187] {strides = array<i32>} : memref<512x16xf32, #tpu.memory_space<vmem>>, vector<1x16xf32>,
      %get3A_189 = vector.shape_cast %get3A_188 : vector<1x16xf32> to vector<16xf32>
      %add3A_190 = arith.addf %scan3A_121, %get3A_189 : vector<16xf32>
      scf.yield %add3A_127, %add3A_136, %add3A_145, %add3A_154, %add3A_163, %add3A_172, %add3A_181, %add3A_190 : vector<16xf32>, vector<16xf32>, vector<16xf32>, vector<16xf32>, vector<16xf32>, vector<16xf32>, vector<16xf32>, vector<16xf32>
    }
    %scan3A_95 = arith.constant 32 : i32
    %add3A_96 = arith.addf %scan3A_94#0, %scan3A_94#1 : vector<16xf32>
    %add3A_97 = arith.addf %scan3A_94#2, %scan3A_94#3 : vector<16xf32>
    %add3A_98 = arith.addf %add3A_96, %add3A_97 : vector<16xf32>
    %add3A_99 = arith.addf %scan3A_94#4, %scan3A_94#5 : vector<16xf32>
    %add3A_100 = arith.addf %scan3A_94#6, %scan3A_94#7 : vector<16xf32>
    %add3A_101 = arith.addf %add3A_99, %add3A_100 : vector<16xf32>
    %add3A_102 = arith.addf %add3A_98, %add3A_101 : vector<16xf32>
    %swap3A = arith.constant 0 : index
    %swap3A_103 = tpu.vector_load %arg6[%swap3A] {strides = array<i32>} : memref<16xf32, #tpu.memory_space<vmem>>, vector<16xf32>,
    %swap3A_104 = vector.shape_cast %swap3A_103 : vector<16xf32> to vector<16xf32>
    %swap3A_105 = vector.shape_cast %add3A_102 : vector<16xf32> to vector<16xf32>
    tpu.vector_store %arg6[%swap3A], %swap3A_105 {strides = array<i32>} : memref<16xf32, #tpu.memory_space<vmem>>, vector<16xf32>,
    %mul3A_106 = arith.constant 16 : i32
    %mul3A_107 = arith.muli %arg1, %mul3A_106 : i32
    "tpu.region"() ({
      %run_scoped3A = tpu.sem_alloc : memref<!tpu.dma_semaphore, #tpu.memory_space<semaphore_mem>>
      %dma_start3A_113 = tpu.memref_slice %arg10[%mul3A_107] : memref<256xf32, #tpu.memory_space<vmem_shared>> -> memref<16xf32, #tpu.memory_space<vmem_shared>>
      %dma_start3A_114 = tpu.memref_slice %arg10[%mul3A_107] : memref<256xf32, #tpu.memory_space<vmem_shared>> -> memref<16xf32, #tpu.memory_space<vmem_shared>>
      tpu.enqueue_dma source(%arg6 : memref<16xf32, #tpu.memory_space<vmem>>) target(%dma_start3A_114 : memref<16xf32, #tpu.memory_space<vmem_shared>>) target_semaphore(%run_scoped3A : memref<!tpu.dma_semaphore, #tpu.memory_space<semaphore_mem>>)
      %dma_wait3A_115 = tpu.memref_slice %arg10[%mul3A_107] : memref<256xf32, #tpu.memory_space<vmem_shared>> -> memref<16xf32, #tpu.memory_space<vmem_shared>>
      %dma_wait3A_116 = tpu.memref_slice %arg10[%mul3A_107] : memref<256xf32, #tpu.memory_space<vmem_shared>> -> memref<16xf32, #tpu.memory_space<vmem_shared>>
      tpu.wait_dma2 semaphore(%run_scoped3A : memref<!tpu.dma_semaphore, #tpu.memory_space<semaphore_mem>>) src(%arg6 : memref<16xf32, #tpu.memory_space<vmem>>) dst(%dma_wait3A_116 : memref<16xf32, #tpu.memory_space<vmem_shared>>)
      tpu.yield
    }) : () -> ()
    %barrier3A = arith.constant 0 : index
    tpu.barrier barrier_id(%barrier3A)
    %lt3A_108 = arith.constant 2 : i32
    %lt3A_109 = arith.cmpi slt, %arg1, %lt3A_108 : i32
    %convert_element_type3A_110 = arith.extui %lt3A_109 : i1 to i32
    %cond3A_111 = arith.constant 0 : i32
    %cond3A_112 = arith.cmpi ne, %convert_element_type3A_110, %cond3A_111 : i32
    scf.if %cond3A_112 {
      "tpu.region"() ({
        %run_scoped3A = tpu.sem_alloc : memref<!tpu.dma_semaphore, #tpu.memory_space<semaphore_mem>>
        tpu.enqueue_dma source(%arg10 : memref<256xf32, #tpu.memory_space<vmem_shared>>) target(%arg7 : memref<256xf32, #tpu.memory_space<vmem>>) target_semaphore(%run_scoped3A : memref<!tpu.dma_semaphore, #tpu.memory_space<semaphore_mem>>)
        tpu.wait_dma2 semaphore(%run_scoped3A : memref<!tpu.dma_semaphore, #tpu.memory_space<semaphore_mem>>) src(%arg10 : memref<256xf32, #tpu.memory_space<vmem_shared>>) dst(%arg7 : memref<256xf32, #tpu.memory_space<vmem>>)
        tpu.yield
      }) : () -> ()
      %mul3A_113 = arith.constant 8 : i32
      %mul3A_114 = arith.muli %arg1, %mul3A_113 : i32
      %add3A_115 = arith.constant 0 : i32
      %add3A_116 = arith.addi %mul3A_114, %add3A_115 : i32
      %mul3A_117 = arith.constant 16 : i32
      %mul3A_118 = arith.muli %add3A_116, %mul3A_117 : i32
      %get3A = arith.index_cast %mul3A_118 : i32 to index
      %get3A_119 = tpu.vector_load %arg7[%get3A] {strides = array<i32>} : memref<256xf32, #tpu.memory_space<vmem>>, vector<16xf32>,
      %get3A_120 = vector.shape_cast %get3A_119 : vector<16xf32> to vector<16xf32>
      %add3A_121 = arith.addf %broadcast_in_dim3A_0, %get3A_120 : vector<16xf32>
      %mul3A_122 = arith.constant 8 : i32
      %mul3A_123 = arith.muli %arg1, %mul3A_122 : i32
      %add3A_124 = arith.constant 1 : i32
      %add3A_125 = arith.addi %mul3A_123, %add3A_124 : i32
      %mul3A_126 = arith.constant 16 : i32
      %mul3A_127 = arith.muli %add3A_125, %mul3A_126 : i32
      %get3A_128 = arith.index_cast %mul3A_127 : i32 to index
      %get3A_129 = tpu.vector_load %arg7[%get3A_128] {strides = array<i32>} : memref<256xf32, #tpu.memory_space<vmem>>, vector<16xf32>,
      %get3A_130 = vector.shape_cast %get3A_129 : vector<16xf32> to vector<16xf32>
      %add3A_131 = arith.addf %add3A_121, %get3A_130 : vector<16xf32>
      %mul3A_132 = arith.constant 8 : i32
      %mul3A_133 = arith.muli %arg1, %mul3A_132 : i32
      %add3A_134 = arith.constant 2 : i32
      %add3A_135 = arith.addi %mul3A_133, %add3A_134 : i32
      %mul3A_136 = arith.constant 16 : i32
      %mul3A_137 = arith.muli %add3A_135, %mul3A_136 : i32
      %get3A_138 = arith.index_cast %mul3A_137 : i32 to index
      %get3A_139 = tpu.vector_load %arg7[%get3A_138] {strides = array<i32>} : memref<256xf32, #tpu.memory_space<vmem>>, vector<16xf32>,
      %get3A_140 = vector.shape_cast %get3A_139 : vector<16xf32> to vector<16xf32>
      %add3A_141 = arith.addf %add3A_131, %get3A_140 : vector<16xf32>
      %mul3A_142 = arith.constant 8 : i32
      %mul3A_143 = arith.muli %arg1, %mul3A_142 : i32
      %add3A_144 = arith.constant 3 : i32
      %add3A_145 = arith.addi %mul3A_143, %add3A_144 : i32
      %mul3A_146 = arith.constant 16 : i32
      %mul3A_147 = arith.muli %add3A_145, %mul3A_146 : i32
      %get3A_148 = arith.index_cast %mul3A_147 : i32 to index
      %get3A_149 = tpu.vector_load %arg7[%get3A_148] {strides = array<i32>} : memref<256xf32, #tpu.memory_space<vmem>>, vector<16xf32>,
      %get3A_150 = vector.shape_cast %get3A_149 : vector<16xf32> to vector<16xf32>
      %add3A_151 = arith.addf %add3A_141, %get3A_150 : vector<16xf32>
      %mul3A_152 = arith.constant 8 : i32
      %mul3A_153 = arith.muli %arg1, %mul3A_152 : i32
      %add3A_154 = arith.constant 4 : i32
      %add3A_155 = arith.addi %mul3A_153, %add3A_154 : i32
      %mul3A_156 = arith.constant 16 : i32
      %mul3A_157 = arith.muli %add3A_155, %mul3A_156 : i32
      %get3A_158 = arith.index_cast %mul3A_157 : i32 to index
      %get3A_159 = tpu.vector_load %arg7[%get3A_158] {strides = array<i32>} : memref<256xf32, #tpu.memory_space<vmem>>, vector<16xf32>,
      %get3A_160 = vector.shape_cast %get3A_159 : vector<16xf32> to vector<16xf32>
      %add3A_161 = arith.addf %add3A_151, %get3A_160 : vector<16xf32>
      %mul3A_162 = arith.constant 8 : i32
      %mul3A_163 = arith.muli %arg1, %mul3A_162 : i32
      %add3A_164 = arith.constant 5 : i32
      %add3A_165 = arith.addi %mul3A_163, %add3A_164 : i32
      %mul3A_166 = arith.constant 16 : i32
      %mul3A_167 = arith.muli %add3A_165, %mul3A_166 : i32
      %get3A_168 = arith.index_cast %mul3A_167 : i32 to index
      %get3A_169 = tpu.vector_load %arg7[%get3A_168] {strides = array<i32>} : memref<256xf32, #tpu.memory_space<vmem>>, vector<16xf32>,
      %get3A_170 = vector.shape_cast %get3A_169 : vector<16xf32> to vector<16xf32>
      %add3A_171 = arith.addf %add3A_161, %get3A_170 : vector<16xf32>
      %mul3A_172 = arith.constant 8 : i32
      %mul3A_173 = arith.muli %arg1, %mul3A_172 : i32
      %add3A_174 = arith.constant 6 : i32
      %add3A_175 = arith.addi %mul3A_173, %add3A_174 : i32
      %mul3A_176 = arith.constant 16 : i32
      %mul3A_177 = arith.muli %add3A_175, %mul3A_176 : i32
      %get3A_178 = arith.index_cast %mul3A_177 : i32 to index
      %get3A_179 = tpu.vector_load %arg7[%get3A_178] {strides = array<i32>} : memref<256xf32, #tpu.memory_space<vmem>>, vector<16xf32>,
      %get3A_180 = vector.shape_cast %get3A_179 : vector<16xf32> to vector<16xf32>
      %add3A_181 = arith.addf %add3A_171, %get3A_180 : vector<16xf32>
      %mul3A_182 = arith.constant 8 : i32
      %mul3A_183 = arith.muli %arg1, %mul3A_182 : i32
      %add3A_184 = arith.constant 7 : i32
      %add3A_185 = arith.addi %mul3A_183, %add3A_184 : i32
      %mul3A_186 = arith.constant 16 : i32
      %mul3A_187 = arith.muli %add3A_185, %mul3A_186 : i32
      %get3A_188 = arith.index_cast %mul3A_187 : i32 to index
      %get3A_189 = tpu.vector_load %arg7[%get3A_188] {strides = array<i32>} : memref<256xf32, #tpu.memory_space<vmem>>, vector<16xf32>,
      %get3A_190 = vector.shape_cast %get3A_189 : vector<16xf32> to vector<16xf32>
      %add3A_191 = arith.addf %add3A_181, %get3A_190 : vector<16xf32>
      %get3A_192 = arith.constant 0 : i32
      %get3A_193 = arith.index_cast %get3A_192 : i32 to index
      %get3A_194 = arith.constant 0 : index
      %get3A_195 = tpu.vector_load %arg8[%get3A_193, %get3A_194] {strides = array<i32>} : memref<4x16xf32, #tpu.memory_space<vmem>>, vector<1x16xf32>,
      %get3A_196 = vector.shape_cast %get3A_195 : vector<1x16xf32> to vector<16xf32>
      %mul3A_197 = arith.mulf %get3A_196, %add3A_191 : vector<16xf32>
      %swap3A_198 = arith.constant 0 : index
      %swap3A_199 = tpu.vector_load %arg9[%swap3A_198] {strides = array<i32>} : memref<256xf32, #tpu.memory_space<vmem>>, vector<16xf32>,
      %swap3A_200 = vector.shape_cast %swap3A_199 : vector<16xf32> to vector<16xf32>
      %swap3A_201 = vector.shape_cast %mul3A_197 : vector<16xf32> to vector<16xf32>
      tpu.vector_store %arg9[%swap3A_198], %swap3A_201 {strides = array<i32>} : memref<256xf32, #tpu.memory_space<vmem>>, vector<16xf32>,
      %swap3A_202 = arith.constant 16 : index
      %swap3A_203 = tpu.vector_load %arg9[%swap3A_202] {strides = array<i32>} : memref<256xf32, #tpu.memory_space<vmem>>, vector<16xf32>,
      %swap3A_204 = vector.shape_cast %swap3A_203 : vector<16xf32> to vector<16xf32>
      %swap3A_205 = vector.shape_cast %mul3A_197 : vector<16xf32> to vector<16xf32>
      tpu.vector_store %arg9[%swap3A_202], %swap3A_205 {strides = array<i32>} : memref<256xf32, #tpu.memory_space<vmem>>, vector<16xf32>,
      %swap3A_206 = arith.constant 32 : index
      %swap3A_207 = tpu.vector_load %arg9[%swap3A_206] {strides = array<i32>} : memref<256xf32, #tpu.memory_space<vmem>>, vector<16xf32>,
      %swap3A_208 = vector.shape_cast %swap3A_207 : vector<16xf32> to vector<16xf32>
      %swap3A_209 = vector.shape_cast %mul3A_197 : vector<16xf32> to vector<16xf32>
      tpu.vector_store %arg9[%swap3A_206], %swap3A_209 {strides = array<i32>} : memref<256xf32, #tpu.memory_space<vmem>>, vector<16xf32>,
      %swap3A_210 = arith.constant 48 : index
      %swap3A_211 = tpu.vector_load %arg9[%swap3A_210] {strides = array<i32>} : memref<256xf32, #tpu.memory_space<vmem>>, vector<16xf32>,
      %swap3A_212 = vector.shape_cast %swap3A_211 : vector<16xf32> to vector<16xf32>
      %swap3A_213 = vector.shape_cast %mul3A_197 : vector<16xf32> to vector<16xf32>
      tpu.vector_store %arg9[%swap3A_210], %swap3A_213 {strides = array<i32>} : memref<256xf32, #tpu.memory_space<vmem>>, vector<16xf32>,
      %get3A_214 = arith.constant 1 : i32
      %get3A_215 = arith.index_cast %get3A_214 : i32 to index
      %get3A_216 = arith.constant 0 : index
      %get3A_217 = tpu.vector_load %arg8[%get3A_215, %get3A_216] {strides = array<i32>} : memref<4x16xf32, #tpu.memory_space<vmem>>, vector<1x16xf32>,
      %get3A_218 = vector.shape_cast %get3A_217 : vector<1x16xf32> to vector<16xf32>
      %mul3A_219 = arith.mulf %get3A_218, %add3A_191 : vector<16xf32>
      %swap3A_220 = arith.constant 64 : index
      %swap3A_221 = tpu.vector_load %arg9[%swap3A_220] {strides = array<i32>} : memref<256xf32, #tpu.memory_space<vmem>>, vector<16xf32>,
      %swap3A_222 = vector.shape_cast %swap3A_221 : vector<16xf32> to vector<16xf32>
      %swap3A_223 = vector.shape_cast %mul3A_219 : vector<16xf32> to vector<16xf32>
      tpu.vector_store %arg9[%swap3A_220], %swap3A_223 {strides = array<i32>} : memref<256xf32, #tpu.memory_space<vmem>>, vector<16xf32>,
      %swap3A_224 = arith.constant 80 : index
      %swap3A_225 = tpu.vector_load %arg9[%swap3A_224] {strides = array<i32>} : memref<256xf32, #tpu.memory_space<vmem>>, vector<16xf32>,
      %swap3A_226 = vector.shape_cast %swap3A_225 : vector<16xf32> to vector<16xf32>
      %swap3A_227 = vector.shape_cast %mul3A_219 : vector<16xf32> to vector<16xf32>
      tpu.vector_store %arg9[%swap3A_224], %swap3A_227 {strides = array<i32>} : memref<256xf32, #tpu.memory_space<vmem>>, vector<16xf32>,
      %swap3A_228 = arith.constant 96 : index
      %swap3A_229 = tpu.vector_load %arg9[%swap3A_228] {strides = array<i32>} : memref<256xf32, #tpu.memory_space<vmem>>, vector<16xf32>,
      %swap3A_230 = vector.shape_cast %swap3A_229 : vector<16xf32> to vector<16xf32>
      %swap3A_231 = vector.shape_cast %mul3A_219 : vector<16xf32> to vector<16xf32>
      tpu.vector_store %arg9[%swap3A_228], %swap3A_231 {strides = array<i32>} : memref<256xf32, #tpu.memory_space<vmem>>, vector<16xf32>,
      %swap3A_232 = arith.constant 112 : index
      %swap3A_233 = tpu.vector_load %arg9[%swap3A_232] {strides = array<i32>} : memref<256xf32, #tpu.memory_space<vmem>>, vector<16xf32>,
      %swap3A_234 = vector.shape_cast %swap3A_233 : vector<16xf32> to vector<16xf32>
      %swap3A_235 = vector.shape_cast %mul3A_219 : vector<16xf32> to vector<16xf32>
      tpu.vector_store %arg9[%swap3A_232], %swap3A_235 {strides = array<i32>} : memref<256xf32, #tpu.memory_space<vmem>>, vector<16xf32>,
      %get3A_236 = arith.constant 2 : i32
      %get3A_237 = arith.index_cast %get3A_236 : i32 to index
      %get3A_238 = arith.constant 0 : index
      %get3A_239 = tpu.vector_load %arg8[%get3A_237, %get3A_238] {strides = array<i32>} : memref<4x16xf32, #tpu.memory_space<vmem>>, vector<1x16xf32>,
      %get3A_240 = vector.shape_cast %get3A_239 : vector<1x16xf32> to vector<16xf32>
      %mul3A_241 = arith.mulf %get3A_240, %add3A_191 : vector<16xf32>
      %swap3A_242 = arith.constant 128 : index
      %swap3A_243 = tpu.vector_load %arg9[%swap3A_242] {strides = array<i32>} : memref<256xf32, #tpu.memory_space<vmem>>, vector<16xf32>,
      %swap3A_244 = vector.shape_cast %swap3A_243 : vector<16xf32> to vector<16xf32>
      %swap3A_245 = vector.shape_cast %mul3A_241 : vector<16xf32> to vector<16xf32>
      tpu.vector_store %arg9[%swap3A_242], %swap3A_245 {strides = array<i32>} : memref<256xf32, #tpu.memory_space<vmem>>, vector<16xf32>,
      %swap3A_246 = arith.constant 144 : index
      %swap3A_247 = tpu.vector_load %arg9[%swap3A_246] {strides = array<i32>} : memref<256xf32, #tpu.memory_space<vmem>>, vector<16xf32>,
      %swap3A_248 = vector.shape_cast %swap3A_247 : vector<16xf32> to vector<16xf32>
      %swap3A_249 = vector.shape_cast %mul3A_241 : vector<16xf32> to vector<16xf32>
      tpu.vector_store %arg9[%swap3A_246], %swap3A_249 {strides = array<i32>} : memref<256xf32, #tpu.memory_space<vmem>>, vector<16xf32>,
      %swap3A_250 = arith.constant 160 : index
      %swap3A_251 = tpu.vector_load %arg9[%swap3A_250] {strides = array<i32>} : memref<256xf32, #tpu.memory_space<vmem>>, vector<16xf32>,
      %swap3A_252 = vector.shape_cast %swap3A_251 : vector<16xf32> to vector<16xf32>
      %swap3A_253 = vector.shape_cast %mul3A_241 : vector<16xf32> to vector<16xf32>
      tpu.vector_store %arg9[%swap3A_250], %swap3A_253 {strides = array<i32>} : memref<256xf32, #tpu.memory_space<vmem>>, vector<16xf32>,
      %swap3A_254 = arith.constant 176 : index
      %swap3A_255 = tpu.vector_load %arg9[%swap3A_254] {strides = array<i32>} : memref<256xf32, #tpu.memory_space<vmem>>, vector<16xf32>,
      %swap3A_256 = vector.shape_cast %swap3A_255 : vector<16xf32> to vector<16xf32>
      %swap3A_257 = vector.shape_cast %mul3A_241 : vector<16xf32> to vector<16xf32>
      tpu.vector_store %arg9[%swap3A_254], %swap3A_257 {strides = array<i32>} : memref<256xf32, #tpu.memory_space<vmem>>, vector<16xf32>,
      %get3A_258 = arith.constant 3 : i32
      %get3A_259 = arith.index_cast %get3A_258 : i32 to index
      %get3A_260 = arith.constant 0 : index
      %get3A_261 = tpu.vector_load %arg8[%get3A_259, %get3A_260] {strides = array<i32>} : memref<4x16xf32, #tpu.memory_space<vmem>>, vector<1x16xf32>,
      %get3A_262 = vector.shape_cast %get3A_261 : vector<1x16xf32> to vector<16xf32>
      %mul3A_263 = arith.mulf %get3A_262, %add3A_191 : vector<16xf32>
      %swap3A_264 = arith.constant 192 : index
      %swap3A_265 = tpu.vector_load %arg9[%swap3A_264] {strides = array<i32>} : memref<256xf32, #tpu.memory_space<vmem>>, vector<16xf32>,
      %swap3A_266 = vector.shape_cast %swap3A_265 : vector<16xf32> to vector<16xf32>
      %swap3A_267 = vector.shape_cast %mul3A_263 : vector<16xf32> to vector<16xf32>
      tpu.vector_store %arg9[%swap3A_264], %swap3A_267 {strides = array<i32>} : memref<256xf32, #tpu.memory_space<vmem>>, vector<16xf32>,
      %swap3A_268 = arith.constant 208 : index
      %swap3A_269 = tpu.vector_load %arg9[%swap3A_268] {strides = array<i32>} : memref<256xf32, #tpu.memory_space<vmem>>, vector<16xf32>,
      %swap3A_270 = vector.shape_cast %swap3A_269 : vector<16xf32> to vector<16xf32>
      %swap3A_271 = vector.shape_cast %mul3A_263 : vector<16xf32> to vector<16xf32>
      tpu.vector_store %arg9[%swap3A_268], %swap3A_271 {strides = array<i32>} : memref<256xf32, #tpu.memory_space<vmem>>, vector<16xf32>,
      %swap3A_272 = arith.constant 224 : index
      %swap3A_273 = tpu.vector_load %arg9[%swap3A_272] {strides = array<i32>} : memref<256xf32, #tpu.memory_space<vmem>>, vector<16xf32>,
      %swap3A_274 = vector.shape_cast %swap3A_273 : vector<16xf32> to vector<16xf32>
      %swap3A_275 = vector.shape_cast %mul3A_263 : vector<16xf32> to vector<16xf32>
      tpu.vector_store %arg9[%swap3A_272], %swap3A_275 {strides = array<i32>} : memref<256xf32, #tpu.memory_space<vmem>>, vector<16xf32>,
      %swap3A_276 = arith.constant 240 : index
      %swap3A_277 = tpu.vector_load %arg9[%swap3A_276] {strides = array<i32>} : memref<256xf32, #tpu.memory_space<vmem>>, vector<16xf32>,
      %swap3A_278 = vector.shape_cast %swap3A_277 : vector<16xf32> to vector<16xf32>
      %swap3A_279 = vector.shape_cast %mul3A_263 : vector<16xf32> to vector<16xf32>
      tpu.vector_store %arg9[%swap3A_276], %swap3A_279 {strides = array<i32>} : memref<256xf32, #tpu.memory_space<vmem>>, vector<16xf32>,
      %mul3A_280 = arith.constant 2 : i32
      %mul3A_281 = arith.muli %arg0, %mul3A_280 : i32
      %add3A_282 = arith.addi %mul3A_281, %arg1 : i32
      "tpu.region"() ({
        %run_scoped3A = tpu.sem_alloc : memref<!tpu.dma_semaphore, #tpu.memory_space<semaphore_mem>>
        %dma_start3A_283 = arith.constant 0 : i32
        %dma_start3A_284 = tpu.memref_slice %arg4[%add3A_282, %dma_start3A_283] : memref<4x256xf32, #tpu.memory_space<hbm>> -> memref<1x256xf32, #tpu.memory_space<hbm>>
        %dma_start3A_285 = tpu.memref_squeeze %dma_start3A_284 : memref<1x256xf32, #tpu.memory_space<hbm>> -> memref<256xf32, #tpu.memory_space<hbm>>
        %dma_start3A_286 = arith.constant 0 : i32
        %dma_start3A_287 = tpu.memref_slice %arg4[%add3A_282, %dma_start3A_286] : memref<4x256xf32, #tpu.memory_space<hbm>> -> memref<1x256xf32, #tpu.memory_space<hbm>>
        %dma_start3A_288 = tpu.memref_squeeze %dma_start3A_287 : memref<1x256xf32, #tpu.memory_space<hbm>> -> memref<256xf32, #tpu.memory_space<hbm>>
        tpu.enqueue_dma source(%arg9 : memref<256xf32, #tpu.memory_space<vmem>>) target(%dma_start3A_288 : memref<256xf32, #tpu.memory_space<hbm>>) target_semaphore(%run_scoped3A : memref<!tpu.dma_semaphore, #tpu.memory_space<semaphore_mem>>)
        %dma_wait3A_289 = arith.constant 0 : i32
        %dma_wait3A_290 = tpu.memref_slice %arg4[%add3A_282, %dma_wait3A_289] : memref<4x256xf32, #tpu.memory_space<hbm>> -> memref<1x256xf32, #tpu.memory_space<hbm>>
        %dma_wait3A_291 = tpu.memref_squeeze %dma_wait3A_290 : memref<1x256xf32, #tpu.memory_space<hbm>> -> memref<256xf32, #tpu.memory_space<hbm>>
        %dma_wait3A_292 = arith.constant 0 : i32
        %dma_wait3A_293 = tpu.memref_slice %arg4[%add3A_282, %dma_wait3A_292] : memref<4x256xf32, #tpu.memory_space<hbm>> -> memref<1x256xf32, #tpu.memory_space<hbm>>
        %dma_wait3A_294 = tpu.memref_squeeze %dma_wait3A_293 : memref<1x256xf32, #tpu.memory_space<hbm>> -> memref<256xf32, #tpu.memory_space<hbm>>
        tpu.wait_dma2 semaphore(%run_scoped3A : memref<!tpu.dma_semaphore, #tpu.memory_space<semaphore_mem>>) src(%arg9 : memref<256xf32, #tpu.memory_space<vmem>>) dst(%dma_wait3A_294 : memref<256xf32, #tpu.memory_space<hbm>>)
        tpu.yield
      }) : () -> ()
    } else {
    }
    return
  }
}

</mosaic_0001>

<sc_bundles>
// kernel: hiponet_pooled_sc.3.cloned.1.call-start
scs
__scs_entry_jumppad:
0x0: {  	(pc) =	sbr.rel $0x88, $3  }
0x1: {  	(tag) =	ssettag $0x0;
	lr =	simm.s32 $0x1  }
0x2: {  	[smem:$0x3F9F] =	sst lr;
	_ =	strace $0xD0000000  }
0x3: {  	_ = 	snop  }
0x4: {  	_ = 	snop  }
0x5: {  	_ = 	snop  }
0x6: {  	_ = 	snop  }
0x7: {  	_ = 	snop  }
__scs_overlays_trampoline_lowered:
0x8: {  	[smem:$0x3FAE] =	sst s0  }
0x9: {  	[smem:$0x3FAF] =	sst s1  }
0xa: {  	[smem:$0x3FB0] =	sst s2  }
0xb: {  	[smem:$0x3FB1] =	sst s3  }
0xc: {  	[smem:$0x3FB2] =	sst s4  }
0xd: {  	[smem:$0x3FB3] =	sst s5  }
0xe: {  	[smem:$0x3FB4] =	sst s6  }
0xf: {  	[smem:$0x3FB5] =	sst s7  }
0x10: {  	[smem:$0x3FB6] =	sst s8  }
0x11: {  	[smem:$0x3FB7] =	sst s9;
	s0 =	simm.s32 @!p0 $0x0  }
0x12: {  	s1 =	sld [smem:$0x3F9D];
	s0 =	simm.s32 @p0 $0x1  }
0x13: {  	[smem:$0x3FB8] =	sst s0;
	s0 =	simm.s32 @!p1 $0x0  }
0x14: {  	s2 =	sld [smem:$0x3F9C];
	s0 =	simm.s32 @p1 $0x1  }
0x15: {  	[smem:$0x3FB9] =	sst s0;
	s0 =	simm.s32 @!p2 $0x0  }
0x16: {  	s3 =	sld [smem:$0x3FDB];
	s0 =	simm.s32 @p2 $0x1  }
0x17: {  	s4 =	simm.s32 $0x1BF5;
	[smem:$0x3FBB] =	sst s0  }
0x18: {  	s0 =	sld [smem:$0x3F9E];
	_ =	swait.ge [sflag:s4], $0x0  }
0x19: {  	s7 =	sld [smem:$0x3F9F]  }
0x1a: {  	s8 =	sadd.s32 $0xFFFFE003, lr  }
0x1b: {  	s9 =	sadd.s32 $0xFFFFFEF7, lr;
	s5 =	simm.s32 $0xFFFFFFFF;
	p2 =	slt.u32 s8, $0xFFFFF086  }
0x1c: {  	p1 =	slt.u32 s9, $0xF7A;
	s5 =	simm.s32 @!p2 $0x0  }
0x1d: {  	s5 =	simm.s32 @p1 $0x1;
	p0 =	seq.s32 s7, s2  }
0x1e: {  	s7 =	smul.u32 @!p0 $0xF7A, s2;
	p2 =	seq.s32 @!p0 s5, $0x0  }
0x1f: {  	s9 =	smul.u32 $0xF7A, s1;
	s8 =	simm.s32 @!p0 $0x1BF5;
	p2 =	por !p2, p0  }
0x20: {  	[sflag:s8] =	ssyncset.s32 @!p0 $0xFFFFF086;
	s6 =	sadd.s32 @!p0 s3, s7;
	s7 =	simm.s32 @!p0 $0x108  }
0x21: {  	s3 =	sadd.s32 s3, s9;
	s6 =	sadd.s32 @!p0 $0x88, s6;
	s7 =	simm.s32 @p2 $0x1082  }
0x22: {  	[simem:s7], [sflag:s8] =	dma.local @!p0 [hbm:s6], $0xF7A  }
0x23: {  	s9 =	sor.u32 $0xD0000000, s2;
	s6 =	simm.s32 $0x108;
	_ =	swait.ge @!p0 [sflag:s8], $0x0  }
0x24: {  	s3 =	sadd.s32 $0x88, s3;
	s6 =	simm.s32 @!p1 $0x1082;
	[sflag:s4] =	ssyncset.s32 $0xFFFFF086  }
0x25: {  	[simem:s6], [sflag:s4] =	dma.local [hbm:s3], $0xF7A  }
0x26: {  	[smem:$0x3F9F] =	sst s1;
	(tag) =	ssettag s2;
	_ =	strace s9  }
0x27: {  	s1 =	sld [smem:$0x3FAF]  }
0x28: {  	s2 =	sld [smem:$0x3FB0]  }
0x29: {  	s4 =	sld [smem:$0x3FB2]  }
0x2a: {  	p0 =	seq.s32 s5, $0x0;
	s5 =	sld [smem:$0x3FB3]  }
0x2b: {  	s6 =	sld [smem:$0x3FB4]  }
0x2c: {  	s7 =	sld [smem:$0x3FB5]  }
0x2d: {  	s3 =	simm.s32 $0x108;
	s8 =	sld [smem:$0x3FB6]  }
0x2e: {  	s3 =	simm.s32 @!p0 $0x1082;
	s9 =	sld [smem:$0x3FB7]  }
0x2f: {  	lr =	sadd.s32 s0, s3;
	s0 =	sld [smem:$0x3FAE]  }
0x30: {  	s3 =	sld [smem:$0x3FB1]  }
0x31: {  	[smem:$0x3FBA] =	sst s10  }
0x32: {  	s10 =	sld [smem:$0x3FB8];
	_ =	sdelay $0x3  }
0x33: {  	p0 =	seq.s32 s10, $0x1;
	s10 =	sld [smem:$0x3FBA];
	_ =	sdelay $0x3  }
0x34: {  	[smem:$0x3FBA] =	sst s10  }
0x35: {  	s10 =	sld [smem:$0x3FB9];
	_ =	sdelay $0x3  }
0x36: {  	p1 =	seq.s32 s10, $0x1;
	s10 =	sld [smem:$0x3FBA];
	_ =	sdelay $0x3  }
0x37: {  	[smem:$0x3FBA] =	sst s10  }
0x38: {  	s10 =	sld [smem:$0x3FBB]  }
0x39: {  	_ = 	snop;
	(pc) =	sbr.ind lr, $3  }
0x3a: {  	_ = 	snop  }
0x3b: {  	_ = 	snop  }
0x3c: {  	p2 =	seq.s32 s10, $0x1;
	s10 =	sld [smem:$0x3FBA]  }
0x3d: {  	_ =	shalt  }
0x3e: {  	_ =	shalt  }
0x3f: {  	_ =	shalt  }
0x40: {  	_ =	shalt  }
0x41: {  	_ =	shalt  }
0x42: {  	_ =	shalt  }
0x43: {  	_ =	shalt  }
0x44: {  	_ =	shalt  }
0x45: {  	_ =	shalt  }
0x46: {  	_ =	shalt  }
0x47: {  	_ =	shalt  }
0x48: {  	_ =	shalt  }
0x49: {  	_ =	shalt  }
0x4a: {  	_ =	shalt  }
0x4b: {  	_ =	shalt  }
0x4c: {  	_ =	shalt  }
0x4d: {  	_ =	shalt  }
0x4e: {  	_ =	shalt  }
0x4f: {  	_ =	shalt  }
0x50: {  	_ =	shalt  }
0x51: {  	_ =	shalt  }
0x52: {  	_ =	shalt  }
0x53: {  	_ =	shalt  }
0x54: {  	_ =	shalt  }
0x55: {  	_ =	shalt  }
0x56: {  	_ =	shalt  }
0x57: {  	_ =	shalt  }
0x58: {  	_ =	shalt  }
0x59: {  	_ =	shalt  }
0x5a: {  	_ =	shalt  }
0x5b: {  	_ =	shalt  }
0x5c: {  	_ =	shalt  }
0x5d: {  	_ =	shalt  }
0x5e: {  	_ =	shalt  }
0x5f: {  	_ =	shalt  }
0x60: {  	_ =	shalt  }
0x61: {  	_ =	shalt  }
0x62: {  	_ =	shalt  }
0x63: {  	_ =	shalt  }
0x64: {  	_ =	shalt  }
0x65: {  	_ =	shalt  }
0x66: {  	_ =	shalt  }
0x67: {  	_ =	shalt  }
0x68: {  	_ =	shalt  }
0x69: {  	_ =	shalt  }
0x6a: {  	_ =	shalt  }
0x6b: {  	_ =	shalt  }
0x6c: {  	_ =	shalt  }
0x6d: {  	_ =	shalt  }
0x6e: {  	_ =	shalt  }
0x6f: {  	_ =	shalt  }
0x70: {  	_ =	shalt  }
0x71: {  	_ =	shalt  }
0x72: {  	_ =	shalt  }
0x73: {  	_ =	shalt  }
0x74: {  	_ =	shalt  }
0x75: {  	_ =	shalt  }
0x76: {  	_ =	shalt  }
0x77: {  	_ =	shalt  }
0x78: {  	_ =	shalt  }
0x79: {  	_ =	shalt  }
0x7a: {  	_ =	shalt  }
0x7b: {  	_ =	shalt  }
0x7c: {  	_ =	shalt  }
0x7d: {  	_ =	shalt  }
0x7e: {  	_ =	shalt  }
0x7f: {  	_ =	shalt  }
0x80: {  	_ =	shalt  }
0x81: {  	_ =	shalt  }
0x82: {  	_ =	shalt  }
0x83: {  	_ =	shalt  }
0x84: {  	_ =	shalt  }
0x85: {  	_ =	shalt  }
0x86: {  	_ =	shalt  }
0x87: {  	_ =	shalt  }
.Lfunc_end0:
.L_simem_size_0:
called_computation_lowered:
.L_overlay_start_0:
0x88: {  	s2 =	sld [smem:$0x3FD9]  }
0x89: {  	s3 =	sld [smem:$0x3FFE];
	_ =	sdelay $0x1  }
0x8a: {  	s1 =	srdreg.scid  }
0x8b: {  	s0 =	sand.u32 $0x1, s1  }
0x8c: {  	s17 =	sshll.u32 s0, $0xA;
	s2 =	sadd.s32 s3, s2  }
0x8d: {  	s2 =	sadd.s32 s2, s17  }
0x8e: {  	[smem:$0x3FC6] =	sst s2  }
0x8f: {  	_ = 	snop  }
0x90: {  	s2 =	sld [smem:$0x3FC8]  }
0x91: {  	s18 =	sld [smem:$0x3FD0];
	(tm) =	ssettm $0x1  }
0x92: {  	s4 =	sld [smem:$0x3FFB];
	_ =	sdelay $0x3  }
0x93: {  	_ =	strace s4  }
0x94: {  	s4 =	sld [smem:$0x3FFC];
	_ =	sdelay $0x3  }
0x95: {  	_ =	strace s4  }
0x96: {  	s4 =	sld [smem:$0x3FFD];
	_ =	sdelay $0x3  }
0x97: {  	_ =	strace s4  }
0x98: {  	_ =	strace $0x8FFFFFFF  }
0x99: {  	s19 =	sld [smem:$0x3FDB];
	_ =	sdelay $0x1  }
0x9a: {  	s5 =	simm.s32 $_scs_section_size  }
0x9b: {  	s6 =	simm.s32 $_size__tile_overlayer_lowered;
	s7 =	simm.s32 $_tile_overlayer_lowered  }
0x9c: {  	s22 =	simm.s32 $0x1BFF;
	s21 =	sshll.u32 s7, $0x1;
	s4 =	sadd.s32 s5, s19  }
0x9d: {  	s8 =	simm.s32 $0x0;
	s20 =	sshll.u32 s6, $0x1;
	s6 =	sadd.s32 s21, s4  }
0x9e: {  	[timem:s8], [sflag:s22] =	dma.local [hbm:s6], s20  }
0x9f: {  	_ =	swait.ge [sflag:s22], s20  }
0xa0: {  	s5 =	ssub.s32 $0x0, s20;
	[sflag:s22] =	ssyncset.done $0x0  }
0xa1: {  	[sflag:s22] =	ssyncadd.s32 s5;
	_ =	sdelay $0x1  }
0xa2: {  	s23 =	simm.s32 $0x1B8B  }
0xa3: {  	_ =	swait.ge [sflag:s23], $0x1  }
0xa4: {  	[sflag:s23] =	ssyncset.done $0x0  }
0xa5: {  	s25 =	simm.s32 $0x1B8E;
	s24 =	sld [smem:$0x3FFE];
	[sflag:s23] =	ssyncadd.s32 $0xFFFFFFFF  }
0xa6: {  	s26 =	simm.s32 $execute0_lowered;
	[smem:$0x3FD2] =	sst s25  }
0xa7: {  	s6 =	sshll.u32 s26, $0x1;
	_ =	strace $0x80000046;
	[dreg:$0x1] =	wrdreg $0xFFFFFFFF  }
0xa8: {  	s28 =	simm.s32 $_size_execute0_lowered;
	s4 =	sadd.s32 s4, s6;
	[dreg:$0x0] =	wrdreg $0x0  }
0xa9: {  	s6 =	sshll.u32 s28, $0x1;
	[dreg:$0x2] =	wrdreg s4  }
0xaa: {  	[dreg:$0x3] =	wrdreg s6  }
0xab: {  	[dreg:$0x4] =	wrdreg $0xC0  }
0xac: {  	_ =	task [dreg:s8], $0x5FFFF  }
0xad: {  	[dreg:$0x1] =	wrdreg $0xFFFFFFFF  }
0xae: {  	[dreg:$0x0] =	wrdreg $0x60  }
0xaf: {  	[dreg:$0x2] =	wrdreg s24  }
0xb0: {  	[dreg:$0x3] =	wrdreg s2  }
0xb1: {  	[dreg:$0x4] =	wrdreg s18  }
0xb2: {  	[dreg:$0x5] =	wrdreg $0x104800  }
0xb3: {  	[dreg:$0x6] =	wrdreg $0x9  }
0xb4: {  	_ =	task.clear_ibuf [dreg:s8], $0x7FFFF;
	_ =	strace $0x90000046  }
0xb5: {  	s29 =	simm.s32 $0x9;
	_ =	strace $0x80000048  }
0xb6: {  	_ =	swait.ge [sflag:s29], $0x1  }
0xb7: {  	[sflag:s29] =	ssyncadd.s32 $0xFFFFFFFF  }
0xb8: {  	_ =	strace $0x90000048  }
0xb9: {  	_ =	sfence  }
0xba: {  	s30 =	sld [smem:$0x0];
	_ =	sdelay $0x2  }
0xbb: {  	s31 =	sshll.u32 s1, $0xD;
	s1 =	sshrl.u32 s1, $0x2  }
0xbc: {  	s3 =	sand.u32 $0x4000, s31;
	s1 =	sadd.s32 s1, s30  }
0xbd: {  	s0 =	sor.u32 s3, s0;
	s1 =	sshll.u32 s1, $0x11  }
0xbe: {  	s0 =	sor.u32 s1, s0  }
0xbf: {  	s0 =	sadd.s32 $0x8F2B, s0  }
0xc0: {  	[sflag:s0] =	ssyncadd.remote.s32 $0x1  }
0xc1: {  	_ =	sfence.sel $0xFFFF  }
0xc2: {  	[dreg:$0x0] =	wrdreg $0xFFFFFFFF;
	(pc) =	sbr.abs _section_cstart, $3  }
0xc3: {  	[dreg:$0x1] =	wrdreg $0xFFFFFFFF  }
0xc4: {  	_ =	task.clear_ibuf [dreg:s8], $0x2FFFF;
	_ =	strace $0x9FFFFFFF  }
0xc5: {  	(tm) =	ssettm $0x7FFFFFFF  }
tec
execute0_lowered:
.L_overlay_start_1:
0x0: {  	(tag) =	ssettag $0x1  }
0x1: {  	s5 =	rddreg [dreg:$0x0]  }
0x2: {  	s2 =	srdreg.scid;
	s1 =	rddreg [dreg:$0x1]  }
0x3: {  	s0 =	stileid.u32;
	s9 =	rddreg [dreg:$0x2]  }
0x4: {  	s3 =	rddreg [dreg:$0x3];
	s12 =	simm.s32 $0x1;
	s13 =	simm.s32 $0x2  }
0x5: {  	s14 =	simm.s32 $0x10000;
	s15 =	simm.s32 $0x3;
	s16 =	simm.s32 $0x0  }
0x6: {  	s6 =	sand.u32 $0x1, s2;
	s28 =	sshrl.u32 s0, $0x3;
	s8 =	sshll.u32 s0, $0xD  }
0x7: {  	s2 =	rddreg [dreg:$0x4];
	s31 =	sshll.u32 s0, $0x4;
	p0 =	sgt.u32 s0, $0x1  }
0x8: {  	s7 =	sshll.u32 s6, $0x1;
	s8 =	sand.u32 $0xE000, s8;
	s6 =	ssub.s32 $0x2, s6  }
0x9: {  	s4 =	sor.u32 s28, s7;
	s29 =	sshrl.u32 s6, $0x1;
	s11 =	sadd.s32 s0, s7  }
0xa: {  	s7 =	sadd.s32 s31, s3;
	s10 =	sshll.u32 s4, $0x10;
	s4 =	simm.s32 $0x0  }
0xb: {  	s30 =	ssub.s32 s6, s29;
	s11 =	sshll.u32 s11, $0x4;
	s8 =	sor.u32 s8, s10  }
0xc: {  	[smem:$0x7FF] =	sst s4;
	s9 =	sadd.s32 s9, s11;
	s10 =	smax.u32 s30, $0x1  }
0xd: {  	s11 =	simm.s32 $0x8000;
	s8 =	sadd.s32 s8, s5;
	_ =	strace $0x80000047  }
0xe: {  	s5 =	sadd.s32 $0x400, s8;
	s6 =	sadd.s32 $0x1400, s8;
	s8 =	sshll.u32 s0, $0x7  }
.LBB2_1:
0xf: {  	[tilespmem:s4], [sflag:$0x1] =	stream.linear.gather [hbm4b:s5+s4], $0x8000, $0x38;
	[tilespmem:$0x10490] =	vst v63  }
0x10: {  	_ = 	snop  }
0x11: {  	[tilespmem:s11], [sflag:$0x2] =	stream.linear.gather [hbm4b:s6+s4], $0x8000, $0x38;
	[tilespmem:$0x10490] =	vst v63  }
0x12: {  	s17 =	simm.s32 @!p0 $0x0;
	s18 =	simm.s32 @!p0 $0x10180  }
0x13: {  	[tilespmem:s18], [sflag:$0x3] =	stream.linear.gather @!p0 [hbm4b:s1+s17], $0x200, $0x38;
	[tilespmem:$0x10490] =	vst v63  }
0x14: {  	s17 =	simm.s32 @!p0 $0x3  }
0x15: {  	_ =	swait.ge @!p0 [sflag:s17], $0x200  }
0x16: {  	[sflag:s17] =	ssyncset.done @!p0 $0x0  }
0x17: {  	[sflag:s17] =	ssyncadd.s32 @!p0 $0xFFFFFE00  }
0x18: {  	_ =	swait.ge [sflag:s12], $0x8000  }
0x19: {  	[sflag:s12] =	ssyncset.done $0x0  }
0x1a: {  	s19 =	simm.s32 $0x0;
	[sflag:s12] =	ssyncadd.s32 $0xFFFF8000  }
0x1b: {  	v0 =	vld [tilespmem:s19+$0x380]  }
0x1c: {  	v2 =	vld [tilespmem:s19+$0x0]  }
0x1d: {  	v4 =	vld [tilespmem:s19+$0x80]  }
0x1e: {  	v5 =	vld [tilespmem:s19+$0x100]  }
0x1f: {  	v8 =	vld [tilespmem:s19+$0x180]  }
0x20: {  	v3 =	vimm.f32 $0.0e+00;
	v9 =	vimm.f32 $0.0e+00;
	v6 =	vld [tilespmem:s19+$0x200]  }
0x21: {  	v10 =	vimm.f32 $0.0e+00;
	v7 =	vimm.f32 $0.0e+00;
	v11 =	vld [tilespmem:s19+$0x280];
	v1 =	vadd.f32 v0, v3  }
0x22: {  	s18 =	simm.s32 $0x2000;
	s17 =	simm.s32 $0x400;
	v12 =	vld [tilespmem:s19+$0x300];
	v0 =	vadd.f32 v2, v3;
	v2 =	vadd.f32 v4, v3;
	v4 =	vimm.f32 $0.0e+00  }
.LBB2_2:
0x23: {  	p1 =	sne.s32 s18, $0x1F000;
	v13 =	vld [tilespmem:s17+$0x380];
	v3 =	vadd.f32 v5, v3  }
0x24: {  	v14 =	vld [tilespmem:s17+$0x0];
	v4 =	vadd.f32 v8, v4  }
0x25: {  	v15 =	vld [tilespmem:s17+$0x80];
	v9 =	vadd.f32 v6, v9  }
.Ltmp0:
0x26: {  	v5 =	vld [tilespmem:s17+$0x100];
	v10 =	vadd.f32 v11, v10;
	(pc) =	sbr.rel @p1 .LBB2_2-.Ltmp0, $4  }
0x27: {  	v8 =	vld [tilespmem:s17+$0x180];
	v7 =	vadd.f32 v12, v7  }
0x28: {  	v6 =	vld [tilespmem:s17+$0x200];
	v1 =	vadd.f32 v13, v1  }
0x29: {  	v0 =	vadd.f32 v14, v0;
	v11 =	vld [tilespmem:s17+$0x280]  }
0x2a: {  	v2 =	vadd.f32 v15, v2;
	v12 =	vld [tilespmem:s17+$0x300];
	s17 =	sshra.s32 s18, $0x2;
	s18 =	sadd.s32 $0x1000, s18  }
0x2b: {  	v13 =	vld [tilespmem:s17+$0x380]  }
0x2c: {  	v14 =	vld [tilespmem:s17+$0x0]  }
0x2d: {  	v15 =	vld [tilespmem:s17+$0x80]  }
0x2e: {  	v16 =	vld [tilespmem:s17+$0x100]  }
0x2f: {  	v17 =	vld [tilespmem:s17+$0x180]  }
0x30: {  	v18 =	vld [tilespmem:s17+$0x200]  }
0x31: {  	v19 =	vld [tilespmem:s17+$0x280]  }
0x32: {  	v20 =	vld [tilespmem:s17+$0x300];
	_ =	swait.ge [sflag:s13], $0x8000  }
0x33: {  	[sflag:s13] =	ssyncset.done $0x0  }
0x34: {  	s19 =	simm.s32 $0x0;
	[sflag:s13] =	ssyncadd.s32 $0xFFFF8000  }
0x35: {  	v3 =	vadd.f32 v5, v3;
	v4 =	vadd.f32 v8, v4;
	v5 =	vld [tilespmem:s19+$0x8380]  }
0x36: {  	v6 =	vadd.f32 v6, v9;
	v10 =	vadd.f32 v11, v10;
	v21 =	vld [tilespmem:s19+$0x8000]  }
0x37: {  	v7 =	vadd.f32 v12, v7;
	v12 =	vld [tilespmem:s19+$0x8080];
	v11 =	vadd.f32 v13, v1  }
0x38: {  	v8 =	vld [tilespmem:s19+$0x8100];
	v13 =	vadd.f32 v14, v0;
	v14 =	vadd.f32 v15, v2  }
0x39: {  	v9 =	vld [tilespmem:s19+$0x8180];
	v2 =	vadd.f32 v16, v3;
	v0 =	vadd.f32 v17, v4  }
0x3a: {  	v3 =	vadd.f32 v18, v6;
	v1 =	vadd.f32 v19, v10;
	v10 =	vld [tilespmem:s19+$0x8200]  }
0x3b: {  	v4 =	vadd.f32 v20, v7;
	v5 =	vadd.f32 v5, v11;
	v11 =	vld [tilespmem:s19+$0x8280]  }
0x3c: {  	s17 =	simm.s32 $0x400;
	s18 =	simm.s32 $0x2000;
	v6 =	vadd.f32 v21, v13;
	v7 =	vadd.f32 v12, v14;
	v12 =	vld [tilespmem:s19+$0x8300]  }
.LBB2_4:
0x3d: {  	p1 =	sne.s32 s18, $0x1F000;
	v13 =	vld [tilespmem:s17+$0x8380];
	v2 =	vadd.f32 v8, v2  }
0x3e: {  	v14 =	vld [tilespmem:s17+$0x8000];
	v0 =	vadd.f32 v9, v0  }
0x3f: {  	v15 =	vld [tilespmem:s17+$0x8080];
	v3 =	vadd.f32 v10, v3  }
.Ltmp1:
0x40: {  	v8 =	vld [tilespmem:s17+$0x8100];
	v1 =	vadd.f32 v11, v1;
	(pc) =	sbr.rel @p1 .LBB2_4-.Ltmp1, $4  }
0x41: {  	v9 =	vld [tilespmem:s17+$0x8180];
	v4 =	vadd.f32 v12, v4  }
0x42: {  	v10 =	vld [tilespmem:s17+$0x8200];
	v5 =	vadd.f32 v13, v5  }
0x43: {  	v6 =	vadd.f32 v14, v6;
	v11 =	vld [tilespmem:s17+$0x8280]  }
0x44: {  	v7 =	vadd.f32 v15, v7;
	v12 =	vld [tilespmem:s17+$0x8300];
	s17 =	sshra.s32 s18, $0x2;
	s18 =	sadd.s32 $0x1000, s18  }
0x45: {  	v13 =	vld [tilespmem:s17+$0x8380]  }
0x46: {  	v14 =	vld [tilespmem:s17+$0x8000]  }
0x47: {  	v15 =	vld [tilespmem:s17+$0x8080]  }
0x48: {  	v16 =	vld [tilespmem:s17+$0x8100]  }
0x49: {  	v17 =	vld [tilespmem:s17+$0x8180]  }
0x4a: {  	v18 =	vld [tilespmem:s17+$0x8200]  }
0x4b: {  	v2 =	vadd.f32 v8, v2;
	v61 =	vld [tilespmem:s17+$0x8280]  }
0x4c: {  	v62 =	vld [tilespmem:s17+$0x8300];
	v0 =	vadd.f32 v9, v0;
	v3 =	vadd.f32 v10, v3  }
0x4d: {  	v1 =	vadd.f32 v11, v1;
	v4 =	vadd.f32 v12, v4  }
0x4e: {  	v5 =	vadd.f32 v13, v5;
	v6 =	vadd.f32 v14, v6  }
0x4f: {  	v7 =	vadd.f32 v15, v7;
	v2 =	vadd.f32 v16, v2  }
0x50: {  	v0 =	vadd.f32 v17, v0;
	v3 =	vadd.f32 v18, v3  }
0x51: {  	v1 =	vadd.f32 v61, v1;
	v4 =	vadd.f32 v62, v4  }
0x52: {  	v6 =	vadd.f32 v7, v6;
	v0 =	vadd.f32 v0, v2  }
0x53: {  	v1 =	vadd.f32 v1, v3;
	v63 =	vadd.f32 v5, v4;
	_ =	sdelay $0x1  }
0x54: {  	v0 =	vadd.f32 v0, v6;
	v1 =	vadd.f32 v63, v1;
	_ =	sdelay $0x1  }
0x55: {  	v0 =	vadd.f32 v1, v0;
	_ =	sdelay $0x1  }
0x56: {  	[tilespmem:$0x10000] =	vst v0  }
0x57: {  	[spmem:s7] =	stream.linear.scatter [tilespmem:s14], [sflag:$0x3], $0x10, $0x38;
	[tilespmem:$0x10490] =	vst v63  }
0x58: {  	_ =	swait.ge [sflag:s15], $0x10  }
0x59: {  	[sflag:s15] =	ssyncset.done $0x0  }
0x5a: {  	[sflag:s15] =	ssyncadd.s32 $0xFFFFFFF0  }
0x5b: {  	s17 =	simm.s32 @!p0 $0x10080;
	[bflag:$0x0] =	sbarrier.arrive $0xFFFF  }
0x5c: {  	[tilespmem:s17], [sflag:$0x3] =	stream.linear.gather @!p0 [spmem:s3], $0x100, $0x38;
	[tilespmem:$0x10490] =	vst v63  }
0x5d: {  	s17 =	simm.s32 @!p0 $0x3  }
0x5e: {  	_ =	swait.ge @!p0 [sflag:s17], $0x100  }
0x5f: {  	[sflag:s17] =	ssyncset.done @!p0 $0x0  }
0x60: {  	[sflag:s17] =	ssyncadd.s32 @!p0 $0xFFFFFF00  }
0x61: {  	v0 =	vld @!p0 [tilespmem:s8+$0x10080];
	_ =	sdelay $0x1  }
0x62: {  	v1 =	vld @!p0 [tilespmem:s8+$0x10090];
	_ =	sdelay $0x1  }
0x63: {  	v2 =	vld @!p0 [tilespmem:s8+$0x100A0]  }
0x64: {  	v0 =	vadd.f32 @!p0 $0.0e+00, v0  }
0x65: {  	v3 =	vld @!p0 [tilespmem:s8+$0x100B0]  }
0x66: {  	v0 =	vadd.f32 @!p0 v1, v0  }
0x67: {  	v1 =	vld @!p0 [tilespmem:s8+$0x100C0]  }
0x68: {  	v0 =	vadd.f32 @!p0 v2, v0  }
0x69: {  	v2 =	vld @!p0 [tilespmem:s8+$0x100D0]  }
0x6a: {  	v0 =	vadd.f32 @!p0 v3, v0  }
0x6b: {  	v3 =	vld @!p0 [tilespmem:s8+$0x100E0]  }
0x6c: {  	v0 =	vadd.f32 @!p0 v1, v0  }
0x6d: {  	v1 =	vld @!p0 [tilespmem:s8+$0x100F0]  }
0x6e: {  	v0 =	vadd.f32 @!p0 v2, v0  }
0x6f: {  	v2 =	vld @!p0 [tilespmem:$0x10180]  }
0x70: {  	v0 =	vadd.f32 @!p0 v3, v0;
	_ =	sdelay $0x1  }
0x71: {  	v0 =	vadd.f32 @!p0 v1, v0  }
0x72: {  	v3 =	vld @!p0 [tilespmem:$0x10280]  }
0x73: {  	v2 =	vmul.f32 @!p0 v0, v2;
	_ =	sdelay $0x1  }
0x74: {  	[tilespmem:$0x10380] =	vst @!p0 v2  }
0x75: {  	v1 =	vld @!p0 [tilespmem:$0x10200];
	[tilespmem:$0x10390] =	vst @!p0 v2  }
0x76: {  	v3 =	vmul.f32 @!p0 v3, v0;
	[tilespmem:$0x103A0] =	vst @!p0 v2  }
0x77: {  	[tilespmem:$0x103B0] =	vst @!p0 v2  }
0x78: {  	[tilespmem:$0x10400] =	vst @!p0 v3  }
0x79: {  	v2 =	vld @!p0 [tilespmem:$0x10300];
	[tilespmem:$0x10410] =	vst @!p0 v3  }
0x7a: {  	v1 =	vmul.f32 @!p0 v1, v0;
	[tilespmem:$0x10420] =	vst @!p0 v3  }
0x7b: {  	[tilespmem:$0x10430] =	vst @!p0 v3  }
0x7c: {  	[tilespmem:$0x103C0] =	vst @!p0 v1  }
0x7d: {  	[tilespmem:$0x103D0] =	vst @!p0 v1  }
0x7e: {  	[tilespmem:$0x103E0] =	vst @!p0 v1;
	v0 =	vmul.f32 @!p0 v2, v0  }
0x7f: {  	[tilespmem:$0x103F0] =	vst @!p0 v1  }
0x80: {  	[tilespmem:$0x10440] =	vst @!p0 v0  }
0x81: {  	s16 =	sadd.s32 $0x1, s16;
	[tilespmem:$0x10450] =	vst @!p0 v0  }
0x82: {  	s18 =	simm.s32 @!p0 $0x80;
	p1 =	sne.s32 s16, s10;
	[tilespmem:$0x10460] =	vst @!p0 v0  }
.Ltmp2:
0x83: {  	s19 =	simm.s32 @!p0 $0x200;
	s20 =	simm.s32 @!p0 $0x10380;
	[tilespmem:$0x10470] =	vst @!p0 v0;
	(pc) =	sbr.rel @p1 .LBB2_1-.Ltmp2, $4  }
0x84: {  	[hbm4b:s9+s18] =	stream.strided.scatter @!p0 [tilespmem:s20], [sflag:$0x3], $0x100, s19, s18, $0x38;
	[tilespmem:$0x10490] =	vst v63  }
0x85: {  	_ =	swait.ge @!p0 [sflag:s17], $0x100  }
0x86: {  	[sflag:s17] =	ssyncset.done @!p0 $0x0  }
0x87: {  	[sflag:s17] =	ssyncadd.s32 @!p0 $0xFFFFFF00  }
0x88: {  	_ =	sfence.sel $0x180000  }
0x89: {  	[bflag:$0x0] =	sbarrier.arrive $0xFFFF  }
0x8a: {  	p0 =	sne.s32 s0, $0x0;
	_ =	strace $0x90000047  }
0x8b: {  	s0 =	sadd.s32 @!p0 $0x100000, s2;
	[bflag:$0x2] =	sbarrier.arrive $0xFFFF  }
0x8c: {  	[sflag:s0] =	ssyncadd.tile.s32 @!p0 $0x1;
	_ =	shalt  }
.Lfunc_end2:
_tile_overlayer_lowered:
.L_overlay_start_2:
0x8d: {  	(tag) =	ssettag $0x2  }
0x8e: {  	s0 =	rddreg [dreg:$0x0];
	s2 =	stileid.u32  }
0x8f: {  	s1 =	rddreg [dreg:$0x1];
	p0 =	sne.s32 s2, $0x0  }
0x90: {  	s3 =	rddreg [dreg:$0x2];
	[bflag:$0x3] =	sbarrier.arrive $0xFFFF;
	s2 =	simm.s32 @!p0 $0x1C03  }
0x91: {  	[timem:s3], [sflag:s2] =	dma.local @!p0 [hbm:s0], s1  }
0x92: {  	s0 =	simm.s32 @!p0 $0x3  }
0x93: {  	_ =	swait.ge @!p0 [sflag:s0], s1  }
0x94: {  	s1 =	ssub.s32 @!p0 $0x0, s1;
	[sflag:s0] =	ssyncset.done @!p0 $0x0  }
0x95: {  	[sflag:s0] =	ssyncadd.s32 @!p0 s1  }
0x96: {  	[bflag:$0x3] =	sbarrier.arrive $0xFFFF  }
0x97: {  	_ =	shalt  }

</sc_bundles>
